<compile_context>
chip_gen: v7x
topology: tpu7x:2x2x1
jax: 0.10.2.dev20260603
libtpu: 0.0.44.dev20260713+nightly
codegen_flags: <defaults>
</compile_context>

<pallas_src>
import functools

import jax
import jax.numpy as jnp
from jax import lax
from jax.experimental import pallas as pl
from jax.experimental.pallas import tpu as pltpu
from jax.experimental.pallas import tpu_sc as plsc

N = 10000
E = 320000
H = 64
G = 128
L = 5

NC = 2
NS = 16
LANES = 128

N_PAD = 10240
ROWS_PER_TILE = N_PAD // NS
EW = -(-E // (NC * NS * LANES)) * LANES
CH = EW // LANES
E_PAD = EW * NC * NS


def _seg_body(h_hbm, src_hbm, dst_hbm, zeros_hbm, out_hbm,
              src_v, dst_v, rows_v, acc_shared, sem):
    c = lax.axis_index("c")
    s = lax.axis_index("s")

    pltpu.sync_copy(src_hbm.at[c, s], src_v)
    pltpu.sync_copy(dst_hbm.at[c, s], dst_v)

    pltpu.sync_copy(zeros_hbm, acc_shared.at[pl.ds(s * ROWS_PER_TILE, ROWS_PER_TILE)])
    plsc.subcore_barrier()

    def body(j, carry):
        pltpu.async_copy(h_hbm.at[src_v.at[j]], rows_v, sem).wait()
        pltpu.sync_copy(rows_v, acc_shared.at[dst_v.at[j]], add=True)
        return carry

    lax.fori_loop(0, CH, body, 0)
    plsc.subcore_barrier()

    sl = pl.ds(s * ROWS_PER_TILE, ROWS_PER_TILE)
    pltpu.sync_copy(acc_shared.at[sl], out_hbm.at[c, sl])


@jax.jit
def _segsum_sc(h, src3, dst3, zeros):
    d = h.shape[1]
    mesh = plsc.VectorSubcoreMesh(core_axis_name="c", subcore_axis_name="s")
    k = pl.kernel(
        _seg_body,
        out_type=jax.ShapeDtypeStruct((NC, N_PAD, d), jnp.float32),
        mesh=mesh,
        scratch_types=[
            pltpu.VMEM((CH, LANES), jnp.int32),
            pltpu.VMEM((CH, LANES), jnp.int32),
            pltpu.VMEM((LANES, d), jnp.float32),
            pltpu.VMEM_SHARED((N_PAD, d), jnp.float32),
            pltpu.SemaphoreType.DMA,
        ],
        compiler_params=pltpu.CompilerParams(use_tc_tiling_on_sc=False),
    )
    return k(h, src3, dst3, zeros)


def _mid_body(e_ref, h_ref, sa_ref, sb_ref, w_ref, b_ref, g_ref, beta_ref, o_ref):
    eh = e_ref[...] * h_ref[...]
    za = jnp.dot(eh + (sa_ref[0, :N, :] + sa_ref[1, :N, :]), w_ref[...],
                 preferred_element_type=jnp.float32)
    zb = jnp.dot(eh + (sb_ref[0, :N, :] + sb_ref[1, :N, :]), w_ref[...],
                 preferred_element_type=jnp.float32)
    z = 0.5 * (za + zb) + b_ref[...]
    mu = jnp.mean(z, axis=0, keepdims=True)
    d = z - mu
    var = jnp.mean(d * d, axis=0, keepdims=True)
    h = d / jnp.sqrt(var + 1e-5) * g_ref[...] + beta_ref[...]
    o_ref[...] = jnp.maximum(h, 0.0)


@jax.jit
def _mid_tc(e, h, sa, sb, w, b, g, beta):
    return pl.pallas_call(
        _mid_body,
        out_shape=jax.ShapeDtypeStruct((N, w.shape[1]), jnp.float32),
    )(e, h, sa, sb, w, b, g, beta)


def _last_body(e_ref, h_ref, sa_ref, sb_ref, w_ref, b_ref, g_ref, beta_ref,
               batch_ref, wout_ref, bout_ref, o_ref):
    eh = e_ref[...] * h_ref[...]
    za = jnp.dot(eh + (sa_ref[0, :N, :] + sa_ref[1, :N, :]), w_ref[...],
                 preferred_element_type=jnp.float32)
    zb = jnp.dot(eh + (sb_ref[0, :N, :] + sb_ref[1, :N, :]), w_ref[...],
                 preferred_element_type=jnp.float32)
    z = 0.5 * (za + zb) + b_ref[...]
    mu = jnp.mean(z, axis=0, keepdims=True)
    d = z - mu
    var = jnp.mean(d * d, axis=0, keepdims=True)
    h = d / jnp.sqrt(var + 1e-5) * g_ref[...] + beta_ref[...]
    gids = lax.broadcasted_iota(jnp.int32, (N, G), 1)
    onehot = (batch_ref[...] == gids).astype(jnp.float32)
    sums = lax.dot_general(onehot, h, (((0,), (0,)), ((), ())),
                           precision=lax.Precision.HIGHEST,
                           preferred_element_type=jnp.float32)
    counts = jnp.sum(onehot, axis=0)[:, None]
    hg = sums / jnp.maximum(counts, 1.0)
    o_ref[...] = jnp.dot(hg, wout_ref[...],
                         preferred_element_type=jnp.float32) + bout_ref[...]


@jax.jit
def _last_tc(e, h, sa, sb, w, b, g, beta, batch2, wout, bout):
    return pl.pallas_call(
        _last_body,
        out_shape=jax.ShapeDtypeStruct((G, wout.shape[1]), jnp.float32),
    )(e, h, sa, sb, w, b, g, beta, batch2, wout, bout)


def kernel(x, edge_index, batch, W0, b0, Ws, bs, gammas, betas, eps, W_out, b_out):
    src = edge_index[0]
    dst = edge_index[1]
    pad = E_PAD - E
    srcp = jnp.concatenate([src, jnp.zeros((pad,), jnp.int32)])
    dstp = jnp.concatenate([dst, jnp.full((pad,), N_PAD - 1, jnp.int32)])
    src3a = srcp.reshape(NC, NS, CH, LANES)
    dst3a = dstp.reshape(NC, NS, CH, LANES)
    roll = EW // 2 + LANES
    src3b = jnp.roll(srcp, roll).reshape(NC, NS, CH, LANES)
    dst3b = jnp.roll(dstp, roll).reshape(NC, NS, CH, LANES)
    batch2 = batch.reshape(N, 1)

    h = x
    for l in range(L):
        d = h.shape[1]
        zeros = jnp.zeros((ROWS_PER_TILE, d), jnp.float32)
        sa = _segsum_sc(h, src3a, dst3a, zeros)
        sb = _segsum_sc(h, src3b, dst3b, zeros)
        e = (1.0 + eps[l]).reshape(1, 1)
        w = W0 if l == 0 else Ws[l - 1]
        b = b0 if l == 0 else bs[l - 1]
        if l < L - 1:
            h = _mid_tc(e, h, sa, sb, w, b.reshape(1, H), gammas[l].reshape(1, H),
                        betas[l].reshape(1, H))
        else:
            return _last_tc(e, h, sa, sb, w, b.reshape(1, H),
                            gammas[l].reshape(1, H), betas[l].reshape(1, H),
                            batch2, W_out, b_out.reshape(1, W_out.shape[1]))

# --- scband reference (transcript-rebuilt; emitter-appended) ---
"""Pipeline reference for scband-gnn-4647154614930 (READ-ONLY COPY).

The authoritative reference and input builder live on the scoring server;
editing this copy changes nothing except your own understanding.
"""

import jax, jax.numpy as jnp
import numpy as np

N = 10000
E = 320000
IN_DIM = 128
H = 64
L = 5
G = 128
T = 12


def setup_inputs(seed: int = 0) -> dict:
    key = jax.random.key(seed)
    ks = jax.random.split(key, 12)
    x = jax.random.normal(ks[0], (N, IN_DIM), dtype=jnp.float32)
    edge_index = jax.random.randint(ks[1], (2, E), 0, N, dtype=jnp.int32)
    batch = jnp.sort(jax.random.randint(ks[2], (N,), 0, G, dtype=jnp.int32))
    W0 = jax.random.normal(ks[3], (IN_DIM, H), dtype=jnp.float32) * (1.0 / np.sqrt(IN_DIM))
    b0 = jnp.zeros((H,), dtype=jnp.float32)
    Ws = jax.random.normal(ks[4], (L - 1, H, H), dtype=jnp.float32) * (1.0 / np.sqrt(H))
    bs = jnp.zeros((L - 1, H), dtype=jnp.float32)
    gammas = jnp.ones((L, H), dtype=jnp.float32)
    betas = jnp.zeros((L, H), dtype=jnp.float32)
    eps = jnp.zeros((L,), dtype=jnp.float32)
    W_out = jax.random.normal(ks[5], (H, T), dtype=jnp.float32) * (1.0 / np.sqrt(H))
    b_out = jnp.zeros((T,), dtype=jnp.float32)
    return {"x": x, "edge_index": edge_index, "batch": batch, "W0": W0, "b0": b0,
            "Ws": Ws, "bs": bs, "gammas": gammas, "betas": betas, "eps": eps,
            "W_out": W_out, "b_out": b_out}


def _conv(h, src, dst, W, b, gamma, beta, e):
    # GraphSN/GIN-style conv: scatter-add neighbor messages, linear, batchnorm
    msg = h[src]                                        # gather [E, d]
    agg = jax.ops.segment_sum(msg, dst, num_segments=h.shape[0])  # scatter-add
    z = ((1.0 + e) * h + agg) @ W + b
    mu = jnp.mean(z, axis=0)
    var = jnp.var(z, axis=0)
    z = (z - mu) / jnp.sqrt(var + 1e-5) * gamma + beta
    return z


def reference(x, edge_index, batch, W0, b0, Ws, bs, gammas, betas, eps, W_out, b_out):
    src = edge_index[0]
    dst = edge_index[1]
    h = _conv(x, src, dst, W0, b0, gammas[0], betas[0], eps[0])
    h = jax.nn.relu(h)
    for l in range(1, L):
        h = _conv(h, src, dst, Ws[l - 1], bs[l - 1], gammas[l], betas[l], eps[l])
        if l < L - 1:
            h = jax.nn.relu(h)
    # global mean pool over graphs
    sums = jax.ops.segment_sum(h, batch, num_segments=G)
    counts = jax.ops.segment_sum(jnp.ones((h.shape[0],), dtype=jnp.float32), batch, num_segments=G)
    h_graph = sums / jnp.maximum(counts, 1.0)[:, None]
    return h_graph @ W_out + b_out

if __name__ == "__main__":
    import jax
    _d = setup_inputs()
    print(jax.jit(kernel)(*tuple(_d.values())))

</pallas_src>

<mosaic_0001>
#map = affine_map<(d0, d1) -> (0, 0)>
#map1 = affine_map<(d0, d1) -> (0, 0, 0, 0)>
#map2 = affine_map<(d0, d1) -> (0, 0, 0)>
module attributes {stable_mosaic.version = 14 : i64} {
  func.func @_seg_body(%arg0: i32, %arg1: i32, %arg2: memref<10000x128xf32, #tpu.memory_space<hbm>>, %arg3: memref<2x16x79x128xi32, #tpu.memory_space<hbm>>, %arg4: memref<2x16x79x128xi32, #tpu.memory_space<hbm>>, %arg5: memref<640x128xf32, #tpu.memory_space<hbm>>, %arg6: memref<2x10240x128xf32, #tpu.memory_space<hbm>>, %arg7: memref<79x128xi32, #tpu.memory_space<vmem>>, %arg8: memref<79x128xi32, #tpu.memory_space<vmem>>, %arg9: memref<128x128xf32, #tpu.memory_space<vmem>>, %arg10: memref<10240x128xf32, #tpu.memory_space<vmem_shared>>, %arg11: memref<!tpu.dma_semaphore, #tpu.memory_space<semaphore_mem>>) attributes {dimension_semantics = [#tpu.dimension_semantics<core_parallel>, #tpu.dimension_semantics<subcore_parallel>], iteration_bounds = array<i64: 2, 16>, scalar_prefetch = 0 : i64, scratch_operands = 5 : i64, tpu.core_type = #tpu.core_type<sc_vector_subcore>, window_params = [{transform_indices = #map}, {transform_indices = #map1}, {transform_indices = #map1}, {transform_indices = #map}, {transform_indices = #map2}]} {
    "tpu.region"() ({
      %run_scoped3A = tpu.sem_alloc : memref<!tpu.dma_semaphore, #tpu.memory_space<semaphore_mem>>
      %dma_start3A = arith.constant 0 : i32
      %dma_start3A_9 = arith.constant 0 : i32
      %dma_start3A_10 = tpu.memref_slice %arg3[%arg0, %arg1, %dma_start3A, %dma_start3A_9] : memref<2x16x79x128xi32, #tpu.memory_space<hbm>> -> memref<1x1x79x128xi32, #tpu.memory_space<hbm>>
      %dma_start3A_11 = tpu.memref_squeeze %dma_start3A_10 : memref<1x1x79x128xi32, #tpu.memory_space<hbm>> -> memref<79x128xi32, #tpu.memory_space<hbm>>
      %dma_start3A_12 = arith.constant 0 : i32
      %dma_start3A_13 = arith.constant 0 : i32
      %dma_start3A_14 = tpu.memref_slice %arg3[%arg0, %arg1, %dma_start3A_12, %dma_start3A_13] : memref<2x16x79x128xi32, #tpu.memory_space<hbm>> -> memref<1x1x79x128xi32, #tpu.memory_space<hbm>>
      %dma_start3A_15 = tpu.memref_squeeze %dma_start3A_14 : memref<1x1x79x128xi32, #tpu.memory_space<hbm>> -> memref<79x128xi32, #tpu.memory_space<hbm>>
      tpu.enqueue_dma source(%dma_start3A_15 : memref<79x128xi32, #tpu.memory_space<hbm>>) target(%arg7 : memref<79x128xi32, #tpu.memory_space<vmem>>) target_semaphore(%run_scoped3A : memref<!tpu.dma_semaphore, #tpu.memory_space<semaphore_mem>>)
      %dma_wait3A = arith.constant 0 : i32
      %dma_wait3A_16 = arith.constant 0 : i32
      %dma_wait3A_17 = tpu.memref_slice %arg3[%arg0, %arg1, %dma_wait3A, %dma_wait3A_16] : memref<2x16x79x128xi32, #tpu.memory_space<hbm>> -> memref<1x1x79x128xi32, #tpu.memory_space<hbm>>
      %dma_wait3A_18 = tpu.memref_squeeze %dma_wait3A_17 : memref<1x1x79x128xi32, #tpu.memory_space<hbm>> -> memref<79x128xi32, #tpu.memory_space<hbm>>
      %dma_wait3A_19 = arith.constant 0 : i32
      %dma_wait3A_20 = arith.constant 0 : i32
      %dma_wait3A_21 = tpu.memref_slice %arg3[%arg0, %arg1, %dma_wait3A_19, %dma_wait3A_20] : memref<2x16x79x128xi32, #tpu.memory_space<hbm>> -> memref<1x1x79x128xi32, #tpu.memory_space<hbm>>
      %dma_wait3A_22 = tpu.memref_squeeze %dma_wait3A_21 : memref<1x1x79x128xi32, #tpu.memory_space<hbm>> -> memref<79x128xi32, #tpu.memory_space<hbm>>
      tpu.wait_dma2 semaphore(%run_scoped3A : memref<!tpu.dma_semaphore, #tpu.memory_space<semaphore_mem>>) src(%dma_wait3A_22 : memref<79x128xi32, #tpu.memory_space<hbm>>) dst(%arg7 : memref<79x128xi32, #tpu.memory_space<vmem>>)
      tpu.yield
    }) : () -> ()
    "tpu.region"() ({
      %run_scoped3A = tpu.sem_alloc : memref<!tpu.dma_semaphore, #tpu.memory_space<semaphore_mem>>
      %dma_start3A = arith.constant 0 : i32
      %dma_start3A_9 = arith.constant 0 : i32
      %dma_start3A_10 = tpu.memref_slice %arg4[%arg0, %arg1, %dma_start3A, %dma_start3A_9] : memref<2x16x79x128xi32, #tpu.memory_space<hbm>> -> memref<1x1x79x128xi32, #tpu.memory_space<hbm>>
      %dma_start3A_11 = tpu.memref_squeeze %dma_start3A_10 : memref<1x1x79x128xi32, #tpu.memory_space<hbm>> -> memref<79x128xi32, #tpu.memory_space<hbm>>
      %dma_start3A_12 = arith.constant 0 : i32
      %dma_start3A_13 = arith.constant 0 : i32
      %dma_start3A_14 = tpu.memref_slice %arg4[%arg0, %arg1, %dma_start3A_12, %dma_start3A_13] : memref<2x16x79x128xi32, #tpu.memory_space<hbm>> -> memref<1x1x79x128xi32, #tpu.memory_space<hbm>>
      %dma_start3A_15 = tpu.memref_squeeze %dma_start3A_14 : memref<1x1x79x128xi32, #tpu.memory_space<hbm>> -> memref<79x128xi32, #tpu.memory_space<hbm>>
      tpu.enqueue_dma source(%dma_start3A_15 : memref<79x128xi32, #tpu.memory_space<hbm>>) target(%arg8 : memref<79x128xi32, #tpu.memory_space<vmem>>) target_semaphore(%run_scoped3A : memref<!tpu.dma_semaphore, #tpu.memory_space<semaphore_mem>>)
      %dma_wait3A = arith.constant 0 : i32
      %dma_wait3A_16 = arith.constant 0 : i32
      %dma_wait3A_17 = tpu.memref_slice %arg4[%arg0, %arg1, %dma_wait3A, %dma_wait3A_16] : memref<2x16x79x128xi32, #tpu.memory_space<hbm>> -> memref<1x1x79x128xi32, #tpu.memory_space<hbm>>
      %dma_wait3A_18 = tpu.memref_squeeze %dma_wait3A_17 : memref<1x1x79x128xi32, #tpu.memory_space<hbm>> -> memref<79x128xi32, #tpu.memory_space<hbm>>
      %dma_wait3A_19 = arith.constant 0 : i32
      %dma_wait3A_20 = arith.constant 0 : i32
      %dma_wait3A_21 = tpu.memref_slice %arg4[%arg0, %arg1, %dma_wait3A_19, %dma_wait3A_20] : memref<2x16x79x128xi32, #tpu.memory_space<hbm>> -> memref<1x1x79x128xi32, #tpu.memory_space<hbm>>
      %dma_wait3A_22 = tpu.memref_squeeze %dma_wait3A_21 : memref<1x1x79x128xi32, #tpu.memory_space<hbm>> -> memref<79x128xi32, #tpu.memory_space<hbm>>
      tpu.wait_dma2 semaphore(%run_scoped3A : memref<!tpu.dma_semaphore, #tpu.memory_space<semaphore_mem>>) src(%dma_wait3A_22 : memref<79x128xi32, #tpu.memory_space<hbm>>) dst(%arg8 : memref<79x128xi32, #tpu.memory_space<vmem>>)
      tpu.yield
    }) : () -> ()
    %mul3A = arith.constant 640 : i32
    %mul3A_0 = arith.muli %arg1, %mul3A : i32
    "tpu.region"() ({
      %run_scoped3A = tpu.sem_alloc : memref<!tpu.dma_semaphore, #tpu.memory_space<semaphore_mem>>
      %dma_start3A = arith.constant 0 : i32
      %dma_start3A_9 = tpu.memref_slice %arg10[%mul3A_0, %dma_start3A] : memref<10240x128xf32, #tpu.memory_space<vmem_shared>> -> memref<640x128xf32, #tpu.memory_space<vmem_shared>>
      tpu.enqueue_dma source(%arg5 : memref<640x128xf32, #tpu.memory_space<hbm>>) target(%dma_start3A_9 : memref<640x128xf32, #tpu.memory_space<vmem_shared>>) target_semaphore(%run_scoped3A : memref<!tpu.dma_semaphore, #tpu.memory_space<semaphore_mem>>)
      %dma_wait3A = arith.constant 0 : i32
      %dma_wait3A_10 = tpu.memref_slice %arg10[%mul3A_0, %dma_wait3A] : memref<10240x128xf32, #tpu.memory_space<vmem_shared>> -> memref<640x128xf32, #tpu.memory_space<vmem_shared>>
      tpu.wait_dma2 semaphore(%run_scoped3A : memref<!tpu.dma_semaphore, #tpu.memory_space<semaphore_mem>>) src(%arg5 : memref<640x128xf32, #tpu.memory_space<hbm>>) dst(%dma_wait3A_10 : memref<640x128xf32, #tpu.memory_space<vmem_shared>>)
      tpu.yield
    }) : () -> ()
    %barrier3A = arith.constant 0 : index
    tpu.barrier barrier_id(%barrier3A)
    %scan3A = arith.constant 0 : i32
    %scan3A_1 = arith.constant 0 : i32
    %scan3A_2 = arith.constant 79 : i32
    %scan3A_3 = arith.addi %scan3A_1, %scan3A_2 : i32
    %scan3A_4 = arith.constant 1 : i32
    scf.for %scan3A_9 = %scan3A_1 to %scan3A_3 step %scan3A_4  : i32 {
      %dma_start3A = arith.constant 0 : i32
      %dma_start3A_10 = tpu.memref_slice %arg7[%scan3A_9, %dma_start3A] : memref<79x128xi32, #tpu.memory_space<vmem>> -> memref<1x128xi32, #tpu.memory_space<vmem>>
      %dma_start3A_11 = tpu.memref_squeeze %dma_start3A_10 : memref<1x128xi32, #tpu.memory_space<vmem>> -> memref<128xi32, #tpu.memory_space<vmem>>
      %dma_start3A_12 = arith.constant 0 : i32
      %dma_start3A_13 = arith.constant 0 : i32
      %dma_start3A_14 = tpu.memref_slice %arg2[%dma_start3A_12, %dma_start3A_13] : memref<10000x128xf32, #tpu.memory_space<hbm>> -> memref<10000x128xf32, #tpu.memory_space<hbm>>
      tpu.enqueue_indirect_dma source(%dma_start3A_14 : memref<10000x128xf32, #tpu.memory_space<hbm>>) target(%arg9 : memref<128x128xf32, #tpu.memory_space<vmem>>) offsets(%dma_start3A_11 : memref<128xi32, #tpu.memory_space<vmem>>) semaphore(%arg11 : memref<!tpu.dma_semaphore, #tpu.memory_space<semaphore_mem>>)
      %dma_wait3A = arith.constant 0 : i32
      %dma_wait3A_15 = tpu.memref_slice %arg7[%scan3A_9, %dma_wait3A] : memref<79x128xi32, #tpu.memory_space<vmem>> -> memref<1x128xi32, #tpu.memory_space<vmem>>
      %dma_wait3A_16 = tpu.memref_squeeze %dma_wait3A_15 : memref<1x128xi32, #tpu.memory_space<vmem>> -> memref<128xi32, #tpu.memory_space<vmem>>
      %dma_wait3A_17 = arith.constant 0 : i32
      %dma_wait3A_18 = arith.constant 0 : i32
      %dma_wait3A_19 = tpu.memref_slice %arg2[%dma_wait3A_17, %dma_wait3A_18] : memref<10000x128xf32, #tpu.memory_space<hbm>> -> memref<10000x128xf32, #tpu.memory_space<hbm>>
      tpu.wait_indirect_dma semaphore(%arg11 : memref<!tpu.dma_semaphore, #tpu.memory_space<semaphore_mem>>) src(%dma_wait3A_19 : memref<10000x128xf32, #tpu.memory_space<hbm>>) dst(%arg9 : memref<128x128xf32, #tpu.memory_space<vmem>>)
      "tpu.region"() ({
        %run_scoped3A = tpu.sem_alloc : memref<!tpu.dma_semaphore, #tpu.memory_space<semaphore_mem>>
        %dma_start3A_20 = arith.constant 0 : i32
        %dma_start3A_21 = tpu.memref_slice %arg8[%scan3A_9, %dma_start3A_20] : memref<79x128xi32, #tpu.memory_space<vmem>> -> memref<1x128xi32, #tpu.memory_space<vmem>>
        %dma_start3A_22 = tpu.memref_squeeze %dma_start3A_21 : memref<1x128xi32, #tpu.memory_space<vmem>> -> memref<128xi32, #tpu.memory_space<vmem>>
        %dma_start3A_23 = arith.constant 0 : i32
        %dma_start3A_24 = arith.constant 0 : i32
        %dma_start3A_25 = tpu.memref_slice %arg10[%dma_start3A_23, %dma_start3A_24] : memref<10240x128xf32, #tpu.memory_space<vmem_shared>> -> memref<10240x128xf32, #tpu.memory_space<vmem_shared>>
        tpu.enqueue_indirect_dma source(%arg9 : memref<128x128xf32, #tpu.memory_space<vmem>>) target(%dma_start3A_25 : memref<10240x128xf32, #tpu.memory_space<vmem_shared>>) offsets(%dma_start3A_22 : memref<128xi32, #tpu.memory_space<vmem>>) semaphore(%run_scoped3A : memref<!tpu.dma_semaphore, #tpu.memory_space<semaphore_mem>>) {add = true}
        %dma_wait3A_26 = arith.constant 0 : i32
        %dma_wait3A_27 = tpu.memref_slice %arg8[%scan3A_9, %dma_wait3A_26] : memref<79x128xi32, #tpu.memory_space<vmem>> -> memref<1x128xi32, #tpu.memory_space<vmem>>
        %dma_wait3A_28 = tpu.memref_squeeze %dma_wait3A_27 : memref<1x128xi32, #tpu.memory_space<vmem>> -> memref<128xi32, #tpu.memory_space<vmem>>
        %dma_wait3A_29 = arith.constant 0 : i32
        %dma_wait3A_30 = arith.constant 0 : i32
        %dma_wait3A_31 = tpu.memref_slice %arg10[%dma_wait3A_29, %dma_wait3A_30] : memref<10240x128xf32, #tpu.memory_space<vmem_shared>> -> memref<10240x128xf32, #tpu.memory_space<vmem_shared>>
        tpu.wait_indirect_dma semaphore(%run_scoped3A : memref<!tpu.dma_semaphore, #tpu.memory_space<semaphore_mem>>) src(%arg9 : memref<128x128xf32, #tpu.memory_space<vmem>>) dst(%dma_wait3A_31 : memref<10240x128xf32, #tpu.memory_space<vmem_shared>>)
        tpu.yield
      }) : () -> ()
    }
    %scan3A_5 = arith.constant 79 : i32
    %barrier3A_6 = arith.constant 0 : index
    tpu.barrier barrier_id(%barrier3A_6)
    %mul3A_7 = arith.constant 640 : i32
    %mul3A_8 = arith.muli %arg1, %mul3A_7 : i32
    "tpu.region"() ({
      %run_scoped3A = tpu.sem_alloc : memref<!tpu.dma_semaphore, #tpu.memory_space<semaphore_mem>>
      %dma_start3A = arith.constant 0 : i32
      %dma_start3A_9 = tpu.memref_slice %arg6[%arg0, %mul3A_8, %dma_start3A] : memref<2x10240x128xf32, #tpu.memory_space<hbm>> -> memref<1x640x128xf32, #tpu.memory_space<hbm>>
      %dma_start3A_10 = tpu.memref_squeeze %dma_start3A_9 : memref<1x640x128xf32, #tpu.memory_space<hbm>> -> memref<640x128xf32, #tpu.memory_space<hbm>>
      %dma_start3A_11 = arith.constant 0 : i32
      %dma_start3A_12 = tpu.memref_slice %arg10[%mul3A_8, %dma_start3A_11] : memref<10240x128xf32, #tpu.memory_space<vmem_shared>> -> memref<640x128xf32, #tpu.memory_space<vmem_shared>>
      tpu.enqueue_dma source(%dma_start3A_12 : memref<640x128xf32, #tpu.memory_space<vmem_shared>>) target(%dma_start3A_10 : memref<640x128xf32, #tpu.memory_space<hbm>>) target_semaphore(%run_scoped3A : memref<!tpu.dma_semaphore, #tpu.memory_space<semaphore_mem>>)
      %dma_wait3A = arith.constant 0 : i32
      %dma_wait3A_13 = tpu.memref_slice %arg6[%arg0, %mul3A_8, %dma_wait3A] : memref<2x10240x128xf32, #tpu.memory_space<hbm>> -> memref<1x640x128xf32, #tpu.memory_space<hbm>>
      %dma_wait3A_14 = tpu.memref_squeeze %dma_wait3A_13 : memref<1x640x128xf32, #tpu.memory_space<hbm>> -> memref<640x128xf32, #tpu.memory_space<hbm>>
      %dma_wait3A_15 = arith.constant 0 : i32
      %dma_wait3A_16 = tpu.memref_slice %arg10[%mul3A_8, %dma_wait3A_15] : memref<10240x128xf32, #tpu.memory_space<vmem_shared>> -> memref<640x128xf32, #tpu.memory_space<vmem_shared>>
      tpu.wait_dma2 semaphore(%run_scoped3A : memref<!tpu.dma_semaphore, #tpu.memory_space<semaphore_mem>>) src(%dma_wait3A_16 : memref<640x128xf32, #tpu.memory_space<vmem_shared>>) dst(%dma_wait3A_14 : memref<640x128xf32, #tpu.memory_space<hbm>>)
      tpu.yield
    }) : () -> ()
    return
  }
}

</mosaic_0001>

<sc_bundles>
// kernel: _segsum_sc.3.cloned.1.call-start
scs
__scs_entry_jumppad:
0x0: {  	(pc) =	sbr.rel $0x88, $3  }
0x1: {  	(tag) =	ssettag $0x0;
	lr =	simm.s32 $0x1  }
0x2: {  	[smem:$0x3F9D] =	sst lr;
	_ =	strace $0xD0000000  }
0x3: {  	_ = 	snop  }
0x4: {  	_ = 	snop  }
0x5: {  	_ = 	snop  }
0x6: {  	_ = 	snop  }
0x7: {  	_ = 	snop  }
__scs_overlays_trampoline_lowered:
0x8: {  	[smem:$0x3FAC] =	sst s0  }
0x9: {  	[smem:$0x3FAD] =	sst s1  }
0xa: {  	[smem:$0x3FAE] =	sst s2  }
0xb: {  	[smem:$0x3FAF] =	sst s3  }
0xc: {  	[smem:$0x3FB0] =	sst s4  }
0xd: {  	[smem:$0x3FB1] =	sst s5  }
0xe: {  	[smem:$0x3FB2] =	sst s6  }
0xf: {  	[smem:$0x3FB3] =	sst s7  }
0x10: {  	[smem:$0x3FB4] =	sst s8  }
0x11: {  	[smem:$0x3FB5] =	sst s9;
	s0 =	simm.s32 @!p0 $0x0  }
0x12: {  	s1 =	sld [smem:$0x3F9B];
	s0 =	simm.s32 @p0 $0x1  }
0x13: {  	[smem:$0x3FB6] =	sst s0;
	s0 =	simm.s32 @!p1 $0x0  }
0x14: {  	s2 =	sld [smem:$0x3F9A];
	s0 =	simm.s32 @p1 $0x1  }
0x15: {  	[smem:$0x3FB7] =	sst s0;
	s0 =	simm.s32 @!p2 $0x0  }
0x16: {  	s3 =	sld [smem:$0x3FDB];
	s0 =	simm.s32 @p2 $0x1  }
0x17: {  	s4 =	simm.s32 $0x1BF5;
	[smem:$0x3FB9] =	sst s0  }
0x18: {  	s0 =	sld [smem:$0x3F9C];
	_ =	swait.ge [sflag:s4], $0x0  }
0x19: {  	s7 =	sld [smem:$0x3F9D]  }
0x1a: {  	s8 =	sadd.s32 $0xFFFFE003, lr  }
0x1b: {  	s9 =	sadd.s32 $0xFFFFFEF7, lr;
	s5 =	simm.s32 $0xFFFFFFFF;
	p2 =	slt.u32 s8, $0xFFFFF086  }
0x1c: {  	p1 =	slt.u32 s9, $0xF7A;
	s5 =	simm.s32 @!p2 $0x0  }
0x1d: {  	s5 =	simm.s32 @p1 $0x1;
	p0 =	seq.s32 s7, s2  }
0x1e: {  	s7 =	smul.u32 @!p0 $0xF7A, s2;
	p2 =	seq.s32 @!p0 s5, $0x0  }
0x1f: {  	s9 =	smul.u32 $0xF7A, s1;
	s8 =	simm.s32 @!p0 $0x1BF5;
	p2 =	por !p2, p0  }
0x20: {  	[sflag:s8] =	ssyncset.s32 @!p0 $0xFFFFF086;
	s6 =	sadd.s32 @!p0 s3, s7;
	s7 =	simm.s32 @!p0 $0x108  }
0x21: {  	s3 =	sadd.s32 s3, s9;
	s6 =	sadd.s32 @!p0 $0x88, s6;
	s7 =	simm.s32 @p2 $0x1082  }
0x22: {  	[simem:s7], [sflag:s8] =	dma.local @!p0 [hbm:s6], $0xF7A  }
0x23: {  	s9 =	sor.u32 $0xD0000000, s2;
	s6 =	simm.s32 $0x108;
	_ =	swait.ge @!p0 [sflag:s8], $0x0  }
0x24: {  	s3 =	sadd.s32 $0x88, s3;
	s6 =	simm.s32 @!p1 $0x1082;
	[sflag:s4] =	ssyncset.s32 $0xFFFFF086  }
0x25: {  	[simem:s6], [sflag:s4] =	dma.local [hbm:s3], $0xF7A  }
0x26: {  	[smem:$0x3F9D] =	sst s1;
	(tag) =	ssettag s2;
	_ =	strace s9  }
0x27: {  	s1 =	sld [smem:$0x3FAD]  }
0x28: {  	s2 =	sld [smem:$0x3FAE]  }
0x29: {  	s4 =	sld [smem:$0x3FB0]  }
0x2a: {  	p0 =	seq.s32 s5, $0x0;
	s5 =	sld [smem:$0x3FB1]  }
0x2b: {  	s6 =	sld [smem:$0x3FB2]  }
0x2c: {  	s7 =	sld [smem:$0x3FB3]  }
0x2d: {  	s3 =	simm.s32 $0x108;
	s8 =	sld [smem:$0x3FB4]  }
0x2e: {  	s3 =	simm.s32 @!p0 $0x1082;
	s9 =	sld [smem:$0x3FB5]  }
0x2f: {  	lr =	sadd.s32 s0, s3;
	s0 =	sld [smem:$0x3FAC]  }
0x30: {  	s3 =	sld [smem:$0x3FAF]  }
0x31: {  	[smem:$0x3FB8] =	sst s10  }
0x32: {  	s10 =	sld [smem:$0x3FB6];
	_ =	sdelay $0x3  }
0x33: {  	p0 =	seq.s32 s10, $0x1;
	s10 =	sld [smem:$0x3FB8];
	_ =	sdelay $0x3  }
0x34: {  	[smem:$0x3FB8] =	sst s10  }
0x35: {  	s10 =	sld [smem:$0x3FB7];
	_ =	sdelay $0x3  }
0x36: {  	p1 =	seq.s32 s10, $0x1;
	s10 =	sld [smem:$0x3FB8];
	_ =	sdelay $0x3  }
0x37: {  	[smem:$0x3FB8] =	sst s10  }
0x38: {  	s10 =	sld [smem:$0x3FB9]  }
0x39: {  	_ = 	snop;
	(pc) =	sbr.ind lr, $3  }
0x3a: {  	_ = 	snop  }
0x3b: {  	_ = 	snop  }
0x3c: {  	p2 =	seq.s32 s10, $0x1;
	s10 =	sld [smem:$0x3FB8]  }
0x3d: {  	_ =	shalt  }
0x3e: {  	_ =	shalt  }
0x3f: {  	_ =	shalt  }
0x40: {  	_ =	shalt  }
0x41: {  	_ =	shalt  }
0x42: {  	_ =	shalt  }
0x43: {  	_ =	shalt  }
0x44: {  	_ =	shalt  }
0x45: {  	_ =	shalt  }
0x46: {  	_ =	shalt  }
0x47: {  	_ =	shalt  }
0x48: {  	_ =	shalt  }
0x49: {  	_ =	shalt  }
0x4a: {  	_ =	shalt  }
0x4b: {  	_ =	shalt  }
0x4c: {  	_ =	shalt  }
0x4d: {  	_ =	shalt  }
0x4e: {  	_ =	shalt  }
0x4f: {  	_ =	shalt  }
0x50: {  	_ =	shalt  }
0x51: {  	_ =	shalt  }
0x52: {  	_ =	shalt  }
0x53: {  	_ =	shalt  }
0x54: {  	_ =	shalt  }
0x55: {  	_ =	shalt  }
0x56: {  	_ =	shalt  }
0x57: {  	_ =	shalt  }
0x58: {  	_ =	shalt  }
0x59: {  	_ =	shalt  }
0x5a: {  	_ =	shalt  }
0x5b: {  	_ =	shalt  }
0x5c: {  	_ =	shalt  }
0x5d: {  	_ =	shalt  }
0x5e: {  	_ =	shalt  }
0x5f: {  	_ =	shalt  }
0x60: {  	_ =	shalt  }
0x61: {  	_ =	shalt  }
0x62: {  	_ =	shalt  }
0x63: {  	_ =	shalt  }
0x64: {  	_ =	shalt  }
0x65: {  	_ =	shalt  }
0x66: {  	_ =	shalt  }
0x67: {  	_ =	shalt  }
0x68: {  	_ =	shalt  }
0x69: {  	_ =	shalt  }
0x6a: {  	_ =	shalt  }
0x6b: {  	_ =	shalt  }
0x6c: {  	_ =	shalt  }
0x6d: {  	_ =	shalt  }
0x6e: {  	_ =	shalt  }
0x6f: {  	_ =	shalt  }
0x70: {  	_ =	shalt  }
0x71: {  	_ =	shalt  }
0x72: {  	_ =	shalt  }
0x73: {  	_ =	shalt  }
0x74: {  	_ =	shalt  }
0x75: {  	_ =	shalt  }
0x76: {  	_ =	shalt  }
0x77: {  	_ =	shalt  }
0x78: {  	_ =	shalt  }
0x79: {  	_ =	shalt  }
0x7a: {  	_ =	shalt  }
0x7b: {  	_ =	shalt  }
0x7c: {  	_ =	shalt  }
0x7d: {  	_ =	shalt  }
0x7e: {  	_ =	shalt  }
0x7f: {  	_ =	shalt  }
0x80: {  	_ =	shalt  }
0x81: {  	_ =	shalt  }
0x82: {  	_ =	shalt  }
0x83: {  	_ =	shalt  }
0x84: {  	_ =	shalt  }
0x85: {  	_ =	shalt  }
0x86: {  	_ =	shalt  }
0x87: {  	_ =	shalt  }
.Lfunc_end0:
.L_simem_size_0:
called_computation_lowered:
.L_overlay_start_0:
0x88: {  	s2 =	sld [smem:$0x3FD9]  }
0x89: {  	s3 =	sld [smem:$0x3FFE];
	_ =	sdelay $0x1  }
0x8a: {  	s1 =	srdreg.scid  }
0x8b: {  	s0 =	sand.u32 $0x1, s1  }
0x8c: {  	s17 =	sshll.u32 s0, $0xA;
	s2 =	sadd.s32 s3, s2  }
0x8d: {  	s2 =	sadd.s32 s2, s17  }
0x8e: {  	[smem:$0x3FC4] =	sst s2  }
0x8f: {  	_ = 	snop  }
0x90: {  	s2 =	sld [smem:$0x3FC9]  }
0x91: {  	s18 =	sld [smem:$0x3FC6]  }
0x92: {  	s4 =	sld [smem:$0x3FD0];
	(tm) =	ssettm $0x1  }
0x93: {  	s5 =	sld [smem:$0x3FFB];
	_ =	sdelay $0x3  }
0x94: {  	_ =	strace s5  }
0x95: {  	s5 =	sld [smem:$0x3FFC];
	_ =	sdelay $0x3  }
0x96: {  	_ =	strace s5  }
0x97: {  	s5 =	sld [smem:$0x3FFD];
	_ =	sdelay $0x3  }
0x98: {  	_ =	strace s5  }
0x99: {  	_ =	strace $0x8FFFFFFF  }
0x9a: {  	s19 =	sld [smem:$0x3FDB];
	_ =	sdelay $0x1  }
0x9b: {  	s6 =	simm.s32 $_scs_section_size  }
0x9c: {  	s7 =	simm.s32 $_size__tile_overlayer_lowered;
	s8 =	simm.s32 $_tile_overlayer_lowered  }
0x9d: {  	s22 =	simm.s32 $0x1BFF;
	s21 =	sshll.u32 s8, $0x1;
	s5 =	sadd.s32 s6, s19  }
0x9e: {  	s9 =	simm.s32 $0x0;
	s20 =	sshll.u32 s7, $0x1;
	s7 =	sadd.s32 s21, s5  }
0x9f: {  	[timem:s9], [sflag:s22] =	dma.local [hbm:s7], s20  }
0xa0: {  	_ =	swait.ge [sflag:s22], s20  }
0xa1: {  	s6 =	ssub.s32 $0x0, s20;
	[sflag:s22] =	ssyncset.done $0x0  }
0xa2: {  	[sflag:s22] =	ssyncadd.s32 s6;
	_ =	sdelay $0x1  }
0xa3: {  	s23 =	simm.s32 $0x1B8B  }
0xa4: {  	_ =	swait.ge [sflag:s23], $0x1  }
0xa5: {  	[sflag:s23] =	ssyncset.done $0x0  }
0xa6: {  	s25 =	simm.s32 $0x1B8E;
	s24 =	sld [smem:$0x3FFE];
	[sflag:s23] =	ssyncadd.s32 $0xFFFFFFFF  }
0xa7: {  	s26 =	simm.s32 $execute0_lowered;
	[smem:$0x3FD2] =	sst s25  }
0xa8: {  	s7 =	sshll.u32 s26, $0x1;
	_ =	strace $0x80000046;
	[dreg:$0x1] =	wrdreg $0xFFFFFFFF  }
0xa9: {  	s28 =	simm.s32 $_size_execute0_lowered;
	s5 =	sadd.s32 s5, s7;
	[dreg:$0x0] =	wrdreg $0x0  }
0xaa: {  	s7 =	sshll.u32 s28, $0x1;
	[dreg:$0x2] =	wrdreg s5  }
0xab: {  	[dreg:$0x3] =	wrdreg s7  }
0xac: {  	[dreg:$0x4] =	wrdreg $0xC0  }
0xad: {  	_ =	task [dreg:s9], $0x5FFFF  }
0xae: {  	[dreg:$0x1] =	wrdreg $0xFFFFFFFF  }
0xaf: {  	[dreg:$0x0] =	wrdreg $0x60  }
0xb0: {  	[dreg:$0x2] =	wrdreg s2  }
0xb1: {  	[dreg:$0x3] =	wrdreg s24  }
0xb2: {  	[dreg:$0x4] =	wrdreg s18  }
0xb3: {  	[dreg:$0x5] =	wrdreg s4  }
0xb4: {  	[dreg:$0x6] =	wrdreg $0x8F000  }
0xb5: {  	[dreg:$0x7] =	wrdreg $0x9  }
0xb6: {  	_ =	task.clear_ibuf [dreg:s9], $0x8FFFF;
	_ =	strace $0x90000046  }
0xb7: {  	s29 =	simm.s32 $0x9;
	_ =	strace $0x80000048  }
0xb8: {  	_ =	swait.ge [sflag:s29], $0x1  }
0xb9: {  	[sflag:s29] =	ssyncadd.s32 $0xFFFFFFFF  }
0xba: {  	_ =	strace $0x90000048  }
0xbb: {  	_ =	sfence  }
0xbc: {  	s30 =	sld [smem:$0x0];
	_ =	sdelay $0x2  }
0xbd: {  	s31 =	sshll.u32 s1, $0xD;
	s1 =	sshrl.u32 s1, $0x2  }
0xbe: {  	s3 =	sand.u32 $0x4000, s31;
	s1 =	sadd.s32 s1, s30  }
0xbf: {  	s0 =	sor.u32 s3, s0;
	s1 =	sshll.u32 s1, $0x11  }
0xc0: {  	s0 =	sor.u32 s1, s0  }
0xc1: {  	s0 =	sadd.s32 $0x8F2B, s0  }
0xc2: {  	[sflag:s0] =	ssyncadd.remote.s32 $0x1  }
0xc3: {  	_ =	sfence.sel $0xFFFF  }
0xc4: {  	[dreg:$0x0] =	wrdreg $0xFFFFFFFF;
	(pc) =	sbr.abs _section_cstart, $3  }
0xc5: {  	[dreg:$0x1] =	wrdreg $0xFFFFFFFF  }
0xc6: {  	_ =	task.clear_ibuf [dreg:s9], $0x2FFFF;
	_ =	strace $0x9FFFFFFF  }
0xc7: {  	(tm) =	ssettm $0x7FFFFFFF  }
tec
execute0_lowered:
.L_overlay_start_1:
0x0: {  	(tag) =	ssettag $0x1  }
0x1: {  	s0 =	rddreg [dreg:$0x0]  }
0x2: {  	s6 =	rddreg [dreg:$0x1]  }
0x3: {  	s1 =	rddreg [dreg:$0x2]  }
0x4: {  	s8 =	rddreg [dreg:$0x3];
	s2 =	srdreg.scid  }
0x5: {  	s4 =	rddreg [dreg:$0x4];
	s3 =	stileid.u32;
	s5 =	simm.s32 $0x0  }
0x6: {  	s14 =	simm.s32 $0x80;
	s15 =	simm.s32 $0x4F00;
	s16 =	simm.s32 $0x1  }
0x7: {  	s7 =	sand.u32 $0x1, s2;
	s2 =	rddreg [dreg:$0x5];
	s10 =	smul.u32 $0x2780, s3  }
0x8: {  	s17 =	simm.s32 $0x0;
	[smem:$0x7FF] =	sst s5;
	s11 =	smul.u32 $0x14000, s3  }
0x9: {  	s31 =	sshll.u32 s3, $0x6;
	s9 =	smul.u32 $0x27800, s7;
	s28 =	ssub.s32 $0x2, s7  }
0xa: {  	s7 =	smul.u32 $0x140000, s7;
	_ =	strace $0x80000047;
	s12 =	sshrl.u32 s28, $0x1  }
0xb: {  	s13 =	sadd.s32 s11, s4;
	s9 =	sadd.s32 s10, s9;
	s10 =	ssub.s32 s28, s12  }
0xc: {  	s29 =	sadd.s32 s11, s7;
	s11 =	simm.s32 $0x2780;
	s9 =	sshrl.u32 s9, $0x3  }
0xd: {  	s12 =	sor.u32 $0x1C02, s31;
	s30 =	sshrl.u32 s29, $0x3;
	s9 =	sadd.s32 s9, s6  }
0xe: {  	s13 =	sshrl.u32 s13, $0x3;
	s8 =	sadd.s32 s8, s30;
	s6 =	sadd.s32 $0x600, s9  }
0xf: {  	s7 =	sadd.s32 $0xA400, s9;
	s9 =	smax.u32 s10, $0x1;
	s10 =	simm.s32 $0x2  }
.LBB2_1:
0x10: {  	[tilespmem:s5], [sflag:$0x2] =	stream.linear.gather [hbm4b:s6+s5], $0x2780, $0x38;
	[tilespmem:$0x1CF00] =	vst v63  }
0x11: {  	_ =	swait.ge [sflag:s10], $0x2780  }
0x12: {  	[sflag:s10] =	ssyncset.done $0x0  }
0x13: {  	[sflag:s10] =	ssyncadd.s32 $0xFFFFD880  }
0x14: {  	[tilespmem:s11], [sflag:$0x2] =	stream.linear.gather [hbm4b:s7+s5], $0x2780, $0x38;
	[tilespmem:$0x1CF00] =	vst v63  }
0x15: {  	_ =	swait.ge [sflag:s10], $0x2780  }
0x16: {  	[sflag:s10] =	ssyncset.done $0x0  }
0x17: {  	[sflag:s10] =	ssyncadd.s32 $0xFFFFD880  }
0x18: {  	[spmem:s13], [sflag:s12] =	dma.local [hbm:s1], $0x2800  }
0x19: {  	_ =	swait.ge [sflag:s10], $0x2800  }
0x1a: {  	[sflag:s10] =	ssyncset.done $0x0  }
0x1b: {  	[sflag:s10] =	ssyncadd.s32 $0xFFFFD800  }
0x1c: {  	s18 =	simm.s32 $0x0;
	[bflag:$0x0] =	sbarrier.arrive $0xFFFF  }
0x1d: {  	[tilespmem:s15], [sflag:$0x1] =	stream.indirect.gather [hbm4b:s0+s14], $0x80, s18, s14, $0xb8;
	[tilespmem:$0x1CF00] =	vst v63  }
0x1e: {  	_ =	swait.ge [sflag:s16], $0x4000  }
0x1f: {  	[sflag:s16] =	ssyncset.done $0x0  }
0x20: {  	s31 =	simm.s32 $0x2780;
	[sflag:s16] =	ssyncadd.s32 $0xFFFFC000  }
0x21: {  	[spmem:s4] =	stream.indirect.scatter.add.f32 [tilespmem:s15], [sflag:$0x2], $0x80, s31, s14, $0xb8;
	[tilespmem:$0x1CF00] =	vst v63  }
0x22: {  	_ =	swait.ge [sflag:s10], $0x4000  }
0x23: {  	s19 =	simm.s32 $0x400;
	s18 =	simm.s32 $0x200;
	[sflag:s10] =	ssyncset.done $0x0  }
.LBB2_2:
0x24: {  	s20 =	sshra.s32 s18, $0x2  }
0x25: {  	[sflag:s10] =	ssyncadd.s32 $0xFFFFC000;
	s18 =	smov.u32 s19;
	s21 =	sadd.s32 $0x200, s19  }
0x26: {  	[tilespmem:s15], [sflag:$0x1] =	stream.indirect.gather [hbm4b:s0+s14], $0x80, s20, s14, $0xb8;
	[tilespmem:$0x1CF00] =	vst v63  }
0x27: {  	p0 =	sne.s32 s19, $0x9C00;
	_ =	swait.ge [sflag:s16], $0x4000  }
.Ltmp0:
0x28: {  	[sflag:s16] =	ssyncset.done $0x0;
	(pc) =	sbr.rel @p0 .LBB2_2-.Ltmp0, $4  }
0x29: {  	s19 =	sadd.s32 $0x2780, s20;
	[sflag:s16] =	ssyncadd.s32 $0xFFFFC000  }
0x2a: {  	[spmem:s4] =	stream.indirect.scatter.add.f32 [tilespmem:s15], [sflag:$0x2], $0x80, s19, s14, $0xb8;
	[tilespmem:$0x1CF00] =	vst v63  }
0x2b: {  	_ =	swait.ge [sflag:s10], $0x4000  }
0x2c: {  	s19 =	smov.u32 s21;
	[sflag:s10] =	ssyncset.done $0x0  }
0x2d: {  	s18 =	sshra.s32 s18, $0x2;
	[sflag:s10] =	ssyncadd.s32 $0xFFFFC000  }
0x2e: {  	[tilespmem:s15], [sflag:$0x1] =	stream.indirect.gather [hbm4b:s0+s14], $0x80, s18, s14, $0xb8;
	[tilespmem:$0x1CF00] =	vst v63  }
0x2f: {  	_ =	swait.ge [sflag:s16], $0x4000  }
0x30: {  	[sflag:s16] =	ssyncset.done $0x0  }
0x31: {  	s18 =	sadd.s32 $0x2780, s18;
	[sflag:s16] =	ssyncadd.s32 $0xFFFFC000  }
0x32: {  	[spmem:s4] =	stream.indirect.scatter.add.f32 [tilespmem:s15], [sflag:$0x2], $0x80, s18, s14, $0xb8;
	[tilespmem:$0x1CF00] =	vst v63  }
0x33: {  	_ =	swait.ge [sflag:s10], $0x4000  }
0x34: {  	s17 =	sadd.s32 $0x1, s17;
	[sflag:s10] =	ssyncset.done $0x0  }
0x35: {  	p0 =	sne.s32 s17, s9;
	[sflag:s10] =	ssyncadd.s32 $0xFFFFC000  }
.Ltmp1:
0x36: {  	[bflag:$0x0] =	sbarrier.arrive $0xFFFF;
	(pc) =	sbr.rel @p0 .LBB2_1-.Ltmp1, $4  }
0x37: {  	[hbm:s8], [sflag:s12] =	dma.local [spmem:s13], $0x2800  }
0x38: {  	_ =	swait.ge [sflag:s10], $0x2800  }
0x39: {  	[sflag:s10] =	ssyncset.done $0x0  }
0x3a: {  	[sflag:s10] =	ssyncadd.s32 $0xFFFFD800  }
0x3b: {  	_ =	sfence.sel $0x180000  }
0x3c: {  	[bflag:$0x0] =	sbarrier.arrive $0xFFFF  }
0x3d: {  	p0 =	sne.s32 s3, $0x0;
	_ =	strace $0x90000047  }
0x3e: {  	s0 =	sadd.s32 @!p0 $0x100000, s2;
	[bflag:$0x2] =	sbarrier.arrive $0xFFFF  }
0x3f: {  	[sflag:s0] =	ssyncadd.tile.s32 @!p0 $0x1;
	_ =	shalt  }
.Lfunc_end2:
_tile_overlayer_lowered:
.L_overlay_start_2:
0x40: {  	(tag) =	ssettag $0x2  }
0x41: {  	s0 =	rddreg [dreg:$0x0];
	s2 =	stileid.u32  }
0x42: {  	s1 =	rddreg [dreg:$0x1];
	p0 =	sne.s32 s2, $0x0  }
0x43: {  	s3 =	rddreg [dreg:$0x2];
	[bflag:$0x3] =	sbarrier.arrive $0xFFFF;
	s2 =	simm.s32 @!p0 $0x1C02  }
0x44: {  	[timem:s3], [sflag:s2] =	dma.local @!p0 [hbm:s0], s1  }
0x45: {  	s0 =	simm.s32 @!p0 $0x2  }
0x46: {  	_ =	swait.ge @!p0 [sflag:s0], s1  }
0x47: {  	s1 =	ssub.s32 @!p0 $0x0, s1;
	[sflag:s0] =	ssyncset.done @!p0 $0x0  }
0x48: {  	[sflag:s0] =	ssyncadd.s32 @!p0 s1  }
0x49: {  	[bflag:$0x3] =	sbarrier.arrive $0xFFFF  }
0x4a: {  	_ =	shalt  }

</sc_bundles>
